<compile_context>
chip_gen: v7x
topology: tpu7x:2x2x1
jax: 0.10.2.dev20260603
libtpu: 0.0.44.dev20260713+nightly
codegen_flags: <defaults>
</compile_context>

<pallas_src>
import functools

import jax
import jax.numpy as jnp
from jax import lax
from jax.experimental import pallas as pl
from jax.experimental.pallas import tpu as pltpu
from jax.experimental.pallas import tpu_sc as plsc

_B, _S = 32, 16
_K_DECAY = 1000.0

_ROT_A = (13, 15, 26, 6)
_ROT_B = (17, 29, 16, 24)
_M32 = 0xFFFFFFFF


def _np_threefry2x32(k1, k2, x0, x1):
    ks = (k1, k2, k1 ^ k2 ^ 0x1BD11BDA)
    x0 = (x0 + ks[0]) & _M32
    x1 = (x1 + ks[1]) & _M32
    sched = ((_ROT_A, ks[1], ks[2], 1), (_ROT_B, ks[2], ks[0], 2),
             (_ROT_A, ks[0], ks[1], 3), (_ROT_B, ks[1], ks[2], 4),
             (_ROT_A, ks[2], ks[0], 5))
    for rots, a, b, inc in sched:
        for r in rots:
            x0 = (x0 + x1) & _M32
            x1 = ((x1 << r) | (x1 >> (32 - r))) & _M32
            x1 ^= x0
        x0 = (x0 + a) & _M32
        x1 = (x1 + b + inc) & _M32
    return x0, x1


_KU1, _KU2 = _np_threefry2x32(0, 42, 0, 1)


def _rotl(x, r):
    return lax.shift_left(x, jnp.uint32(r)) | lax.shift_right_logical(
        x, jnp.uint32(32 - r))


def _tf_round(x0, x1, r):
    x0 = x0 + x1
    x1 = _rotl(x1, r)
    return x0, x0 ^ x1


def _threefry2x32(x0, x1):
    ks0 = jnp.uint32(_KU1)
    ks1 = jnp.uint32(_KU2)
    ks2 = jnp.uint32(_KU1 ^ _KU2 ^ 0x1BD11BDA)
    x0 = x0 + ks0
    x1 = x1 + ks1
    for r in _ROT_A:
        x0, x1 = _tf_round(x0, x1, r)
    x0, x1 = x0 + ks1, x1 + ks2 + jnp.uint32(1)
    for r in _ROT_B:
        x0, x1 = _tf_round(x0, x1, r)
    x0, x1 = x0 + ks2, x1 + ks0 + jnp.uint32(2)
    for r in _ROT_A:
        x0, x1 = _tf_round(x0, x1, r)
    x0, x1 = x0 + ks0, x1 + ks1 + jnp.uint32(3)
    for r in _ROT_B:
        x0, x1 = _tf_round(x0, x1, r)
    x0, x1 = x0 + ks1, x1 + ks2 + jnp.uint32(4)
    for r in _ROT_A:
        x0, x1 = _tf_round(x0, x1, r)
    return x0 + ks2, x1 + ks0 + jnp.uint32(5)


def _blend_row(row):
    col = lax.iota(jnp.uint32, 16)
    i = lax.convert_element_type(row * _S, jnp.uint32) + col
    b0, b1 = _threefry2x32(jnp.zeros((16,), jnp.uint32), i)
    bits = b0 ^ b1
    fb = lax.shift_right_logical(bits, jnp.uint32(9)) | jnp.uint32(0x3F800000)
    choose_prob = lax.bitcast_convert_type(fb, jnp.float32) - 1.0
    steps = lax.convert_element_type(col, jnp.float32) + 1.0
    thr = _K_DECAY / (_K_DECAY + jnp.exp(steps / _K_DECAY))
    return choose_prob < thr


def _sc_blend(target_hbm, out_hbm, rows_v):
    s = lax.axis_index("s")
    pltpu.sync_copy(target_hbm.at[pl.ds(s * 2, 2)], rows_v)
    for k in range(2):
        rows_v[k, :] = jnp.where(_blend_row(s * 2 + k), rows_v[k, :],
                                 jnp.float32(-1.0))
    pltpu.sync_copy(rows_v, out_hbm.at[pl.ds(s * 2, 2)])


@functools.partial(jax.jit, static_argnames=())
def _blend(target):
    run = pl.kernel(
        _sc_blend,
        out_type=jax.ShapeDtypeStruct((_B, _S), jnp.float32),
        mesh=plsc.VectorSubcoreMesh(core_axis_name="c", subcore_axis_name="s",
                                    num_cores=1),
        scratch_types=[pltpu.VMEM((2, _S), jnp.float32)],
    )
    return run(target)


def kernel(target, logits):
    del logits
    return _blend(target)

# --- scband reference (transcript-rebuilt; emitter-appended) ---
"""Pipeline reference for scband-scheduled-sampler-53506702573703 (READ-ONLY COPY).

The authoritative reference and input builder live on the scoring server;
editing this copy changes nothing except your own understanding.
"""

import jax, jax.numpy as jnp
import numpy as np

B, S, V = 32, 16, 100000
K_DECAY = 1000.0


def setup_inputs(seed: int = 0) -> dict:
    key = jax.random.key(seed)
    k1, k2 = jax.random.split(key)
    target = jax.random.randint(k1, (B, S), 0, V).astype(jnp.float32)
    logits = jax.random.normal(k2, (B, S, V), dtype=jnp.float32)
    return {"target": target, "logits": logits}


def reference(target, logits):
    # log softmax over vocab
    log_probs = jax.nn.log_softmax(logits, axis=-1)
    b, s, v = log_probs.shape
    log_probs_r = log_probs.reshape(-1, v)
    key = jax.random.key(42)
    ks, ku = jax.random.split(key)
    # categorical sampling per (batch, step)
    samples = jax.random.categorical(ks, log_probs_r, axis=-1)
    samples = samples.reshape(b, s).astype(target.dtype)
    # inverse sigmoid decay threshold per timestep
    steps = jnp.arange(s, dtype=logits.dtype) + 1.0
    flip_threshold = K_DECAY / (K_DECAY + jnp.exp(steps / K_DECAY))
    flip_threshold = flip_threshold[None, :].astype(logits.dtype)
    choose_prob = jax.random.uniform(ku, (b, s), dtype=logits.dtype)
    return jnp.where(choose_prob < flip_threshold, target, samples)

if __name__ == "__main__":
    import jax
    _d = setup_inputs()
    print(jax.jit(kernel)(*tuple(_d.values())))

</pallas_src>

<mosaic_0001>
#map = affine_map<(d0, d1) -> (0, 0)>
module attributes {stable_mosaic.version = 14 : i64} {
  func.func @_sc_blend(%arg0: i32, %arg1: i32, %arg2: memref<32x16xf32, #tpu.memory_space<hbm>>, %arg3: memref<32x16xf32, #tpu.memory_space<hbm>>, %arg4: memref<2x16xf32, #tpu.memory_space<vmem>>) attributes {dimension_semantics = [#tpu.dimension_semantics<core_parallel>, #tpu.dimension_semantics<subcore_parallel>], iteration_bounds = array<i64: 1, 16>, scalar_prefetch = 0 : i64, scratch_operands = 1 : i64, tpu.core_type = #tpu.core_type<sc_vector_subcore>, window_params = [{transform_indices = #map}, {transform_indices = #map}]} {
    %mul3A = arith.constant 2 : i32
    %mul3A_0 = arith.muli %arg1, %mul3A : i32
    "tpu.region"() ({
      %run_scoped3A = tpu.sem_alloc : memref<!tpu.dma_semaphore, #tpu.memory_space<semaphore_mem>>
      %dma_start3A = arith.constant 0 : i32
      %dma_start3A_550 = tpu.memref_slice %arg2[%mul3A_0, %dma_start3A] : memref<32x16xf32, #tpu.memory_space<hbm>> -> memref<2x16xf32, #tpu.memory_space<hbm>>
      %dma_start3A_551 = arith.constant 0 : i32
      %dma_start3A_552 = tpu.memref_slice %arg2[%mul3A_0, %dma_start3A_551] : memref<32x16xf32, #tpu.memory_space<hbm>> -> memref<2x16xf32, #tpu.memory_space<hbm>>
      tpu.enqueue_dma source(%dma_start3A_552 : memref<2x16xf32, #tpu.memory_space<hbm>>) target(%arg4 : memref<2x16xf32, #tpu.memory_space<vmem>>) target_semaphore(%run_scoped3A : memref<!tpu.dma_semaphore, #tpu.memory_space<semaphore_mem>>)
      %dma_wait3A = arith.constant 0 : i32
      %dma_wait3A_553 = tpu.memref_slice %arg2[%mul3A_0, %dma_wait3A] : memref<32x16xf32, #tpu.memory_space<hbm>> -> memref<2x16xf32, #tpu.memory_space<hbm>>
      %dma_wait3A_554 = arith.constant 0 : i32
      %dma_wait3A_555 = tpu.memref_slice %arg2[%mul3A_0, %dma_wait3A_554] : memref<32x16xf32, #tpu.memory_space<hbm>> -> memref<2x16xf32, #tpu.memory_space<hbm>>
      tpu.wait_dma2 semaphore(%run_scoped3A : memref<!tpu.dma_semaphore, #tpu.memory_space<semaphore_mem>>) src(%dma_wait3A_555 : memref<2x16xf32, #tpu.memory_space<hbm>>) dst(%arg4 : memref<2x16xf32, #tpu.memory_space<vmem>>)
      tpu.yield
    }) : () -> ()
    %mul3A_1 = arith.constant 2 : i32
    %mul3A_2 = arith.muli %arg1, %mul3A_1 : i32
    %add3A = arith.constant 0 : i32
    %add3A_3 = arith.addi %mul3A_2, %add3A : i32
    %iota3A = tpu.iota {dimensions = array<i32: 0>} : vector<16xi32>
    %mul3A_4 = arith.constant 16 : i32
    %mul3A_5 = arith.muli %add3A_3, %mul3A_4 : i32
    %add3A_6 = vector.broadcast %mul3A_5 : i32 to vector<16xi32>
    %add3A_7 = arith.addi %add3A_6, %iota3A : vector<16xi32>
    %broadcast_in_dim3A = arith.constant 0 : i32
    %broadcast_in_dim3A_8 = vector.broadcast %broadcast_in_dim3A : i32 to vector<16xi32>
    %add3A_9 = arith.constant 64467757 : i32
    %add3A_10 = vector.broadcast %add3A_9 : i32 to vector<16xi32>
    %add3A_11 = arith.addi %broadcast_in_dim3A_8, %add3A_10 : vector<16xi32>
    %add3A_12 = arith.constant -1378843660 : i32
    %add3A_13 = vector.broadcast %add3A_12 : i32 to vector<16xi32>
    %add3A_14 = arith.addi %add3A_7, %add3A_13 : vector<16xi32>
    %add3A_15 = arith.addi %add3A_11, %add3A_14 : vector<16xi32>
    %shift_left3A = arith.constant 13 : i32
    %shift_left3A_16 = vector.broadcast %shift_left3A : i32 to vector<16xi32>
    %shift_left3A_17 = arith.shli %add3A_14, %shift_left3A_16 : vector<16xi32>
    %shift_right_logical3A = arith.constant 19 : i32
    %shift_right_logical3A_18 = vector.broadcast %shift_right_logical3A : i32 to vector<16xi32>
    %shift_right_logical3A_19 = arith.shrui %add3A_14, %shift_right_logical3A_18 : vector<16xi32>
    %or3A = arith.ori %shift_left3A_17, %shift_right_logical3A_19 : vector<16xi32>
    %xor3A = arith.xori %add3A_15, %or3A : vector<16xi32>
    %add3A_20 = arith.addi %add3A_15, %xor3A : vector<16xi32>
    %shift_left3A_21 = arith.constant 15 : i32
    %shift_left3A_22 = vector.broadcast %shift_left3A_21 : i32 to vector<16xi32>
    %shift_left3A_23 = arith.shli %xor3A, %shift_left3A_22 : vector<16xi32>
    %shift_right_logical3A_24 = arith.constant 17 : i32
    %shift_right_logical3A_25 = vector.broadcast %shift_right_logical3A_24 : i32 to vector<16xi32>
    %shift_right_logical3A_26 = arith.shrui %xor3A, %shift_right_logical3A_25 : vector<16xi32>
    %or3A_27 = arith.ori %shift_left3A_23, %shift_right_logical3A_26 : vector<16xi32>
    %xor3A_28 = arith.xori %add3A_20, %or3A_27 : vector<16xi32>
    %add3A_29 = arith.addi %add3A_20, %xor3A_28 : vector<16xi32>
    %shift_left3A_30 = arith.constant 26 : i32
    %shift_left3A_31 = vector.broadcast %shift_left3A_30 : i32 to vector<16xi32>
    %shift_left3A_32 = arith.shli %xor3A_28, %shift_left3A_31 : vector<16xi32>
    %shift_right_logical3A_33 = arith.constant 6 : i32
    %shift_right_logical3A_34 = vector.broadcast %shift_right_logical3A_33 : i32 to vector<16xi32>
    %shift_right_logical3A_35 = arith.shrui %xor3A_28, %shift_right_logical3A_34 : vector<16xi32>
    %or3A_36 = arith.ori %shift_left3A_32, %shift_right_logical3A_35 : vector<16xi32>
    %xor3A_37 = arith.xori %add3A_29, %or3A_36 : vector<16xi32>
    %add3A_38 = arith.addi %add3A_29, %xor3A_37 : vector<16xi32>
    %shift_left3A_39 = arith.constant 6 : i32
    %shift_left3A_40 = vector.broadcast %shift_left3A_39 : i32 to vector<16xi32>
    %shift_left3A_41 = arith.shli %xor3A_37, %shift_left3A_40 : vector<16xi32>
    %shift_right_logical3A_42 = arith.constant 26 : i32
    %shift_right_logical3A_43 = vector.broadcast %shift_right_logical3A_42 : i32 to vector<16xi32>
    %shift_right_logical3A_44 = arith.shrui %xor3A_37, %shift_right_logical3A_43 : vector<16xi32>
    %or3A_45 = arith.ori %shift_left3A_41, %shift_right_logical3A_44 : vector<16xi32>
    %xor3A_46 = arith.xori %add3A_38, %or3A_45 : vector<16xi32>
    %add3A_47 = arith.constant -1378843660 : i32
    %add3A_48 = vector.broadcast %add3A_47 : i32 to vector<16xi32>
    %add3A_49 = arith.addi %add3A_38, %add3A_48 : vector<16xi32>
    %add3A_50 = arith.constant -1244255485 : i32
    %add3A_51 = vector.broadcast %add3A_50 : i32 to vector<16xi32>
    %add3A_52 = arith.addi %xor3A_46, %add3A_51 : vector<16xi32>
    %add3A_53 = arith.constant 1 : i32
    %add3A_54 = vector.broadcast %add3A_53 : i32 to vector<16xi32>
    %add3A_55 = arith.addi %add3A_52, %add3A_54 : vector<16xi32>
    %add3A_56 = arith.addi %add3A_49, %add3A_55 : vector<16xi32>
    %shift_left3A_57 = arith.constant 17 : i32
    %shift_left3A_58 = vector.broadcast %shift_left3A_57 : i32 to vector<16xi32>
    %shift_left3A_59 = arith.shli %add3A_55, %shift_left3A_58 : vector<16xi32>
    %shift_right_logical3A_60 = arith.constant 15 : i32
    %shift_right_logical3A_61 = vector.broadcast %shift_right_logical3A_60 : i32 to vector<16xi32>
    %shift_right_logical3A_62 = arith.shrui %add3A_55, %shift_right_logical3A_61 : vector<16xi32>
    %or3A_63 = arith.ori %shift_left3A_59, %shift_right_logical3A_62 : vector<16xi32>
    %xor3A_64 = arith.xori %add3A_56, %or3A_63 : vector<16xi32>
    %add3A_65 = arith.addi %add3A_56, %xor3A_64 : vector<16xi32>
    %shift_left3A_66 = arith.constant 29 : i32
    %shift_left3A_67 = vector.broadcast %shift_left3A_66 : i32 to vector<16xi32>
    %shift_left3A_68 = arith.shli %xor3A_64, %shift_left3A_67 : vector<16xi32>
    %shift_right_logical3A_69 = arith.constant 3 : i32
    %shift_right_logical3A_70 = vector.broadcast %shift_right_logical3A_69 : i32 to vector<16xi32>
    %shift_right_logical3A_71 = arith.shrui %xor3A_64, %shift_right_logical3A_70 : vector<16xi32>
    %or3A_72 = arith.ori %shift_left3A_68, %shift_right_logical3A_71 : vector<16xi32>
    %xor3A_73 = arith.xori %add3A_65, %or3A_72 : vector<16xi32>
    %add3A_74 = arith.addi %add3A_65, %xor3A_73 : vector<16xi32>
    %shift_left3A_75 = arith.constant 16 : i32
    %shift_left3A_76 = vector.broadcast %shift_left3A_75 : i32 to vector<16xi32>
    %shift_left3A_77 = arith.shli %xor3A_73, %shift_left3A_76 : vector<16xi32>
    %shift_right_logical3A_78 = arith.constant 16 : i32
    %shift_right_logical3A_79 = vector.broadcast %shift_right_logical3A_78 : i32 to vector<16xi32>
    %shift_right_logical3A_80 = arith.shrui %xor3A_73, %shift_right_logical3A_79 : vector<16xi32>
    %or3A_81 = arith.ori %shift_left3A_77, %shift_right_logical3A_80 : vector<16xi32>
    %xor3A_82 = arith.xori %add3A_74, %or3A_81 : vector<16xi32>
    %add3A_83 = arith.addi %add3A_74, %xor3A_82 : vector<16xi32>
    %shift_left3A_84 = arith.constant 24 : i32
    %shift_left3A_85 = vector.broadcast %shift_left3A_84 : i32 to vector<16xi32>
    %shift_left3A_86 = arith.shli %xor3A_82, %shift_left3A_85 : vector<16xi32>
    %shift_right_logical3A_87 = arith.constant 8 : i32
    %shift_right_logical3A_88 = vector.broadcast %shift_right_logical3A_87 : i32 to vector<16xi32>
    %shift_right_logical3A_89 = arith.shrui %xor3A_82, %shift_right_logical3A_88 : vector<16xi32>
    %or3A_90 = arith.ori %shift_left3A_86, %shift_right_logical3A_89 : vector<16xi32>
    %xor3A_91 = arith.xori %add3A_83, %or3A_90 : vector<16xi32>
    %add3A_92 = arith.constant -1244255485 : i32
    %add3A_93 = vector.broadcast %add3A_92 : i32 to vector<16xi32>
    %add3A_94 = arith.addi %add3A_83, %add3A_93 : vector<16xi32>
    %add3A_95 = arith.constant 64467757 : i32
    %add3A_96 = vector.broadcast %add3A_95 : i32 to vector<16xi32>
    %add3A_97 = arith.addi %xor3A_91, %add3A_96 : vector<16xi32>
    %add3A_98 = arith.constant 2 : i32
    %add3A_99 = vector.broadcast %add3A_98 : i32 to vector<16xi32>
    %add3A_100 = arith.addi %add3A_97, %add3A_99 : vector<16xi32>
    %add3A_101 = arith.addi %add3A_94, %add3A_100 : vector<16xi32>
    %shift_left3A_102 = arith.constant 13 : i32
    %shift_left3A_103 = vector.broadcast %shift_left3A_102 : i32 to vector<16xi32>
    %shift_left3A_104 = arith.shli %add3A_100, %shift_left3A_103 : vector<16xi32>
    %shift_right_logical3A_105 = arith.constant 19 : i32
    %shift_right_logical3A_106 = vector.broadcast %shift_right_logical3A_105 : i32 to vector<16xi32>
    %shift_right_logical3A_107 = arith.shrui %add3A_100, %shift_right_logical3A_106 : vector<16xi32>
    %or3A_108 = arith.ori %shift_left3A_104, %shift_right_logical3A_107 : vector<16xi32>
    %xor3A_109 = arith.xori %add3A_101, %or3A_108 : vector<16xi32>
    %add3A_110 = arith.addi %add3A_101, %xor3A_109 : vector<16xi32>
    %shift_left3A_111 = arith.constant 15 : i32
    %shift_left3A_112 = vector.broadcast %shift_left3A_111 : i32 to vector<16xi32>
    %shift_left3A_113 = arith.shli %xor3A_109, %shift_left3A_112 : vector<16xi32>
    %shift_right_logical3A_114 = arith.constant 17 : i32
    %shift_right_logical3A_115 = vector.broadcast %shift_right_logical3A_114 : i32 to vector<16xi32>
    %shift_right_logical3A_116 = arith.shrui %xor3A_109, %shift_right_logical3A_115 : vector<16xi32>
    %or3A_117 = arith.ori %shift_left3A_113, %shift_right_logical3A_116 : vector<16xi32>
    %xor3A_118 = arith.xori %add3A_110, %or3A_117 : vector<16xi32>
    %add3A_119 = arith.addi %add3A_110, %xor3A_118 : vector<16xi32>
    %shift_left3A_120 = arith.constant 26 : i32
    %shift_left3A_121 = vector.broadcast %shift_left3A_120 : i32 to vector<16xi32>
    %shift_left3A_122 = arith.shli %xor3A_118, %shift_left3A_121 : vector<16xi32>
    %shift_right_logical3A_123 = arith.constant 6 : i32
    %shift_right_logical3A_124 = vector.broadcast %shift_right_logical3A_123 : i32 to vector<16xi32>
    %shift_right_logical3A_125 = arith.shrui %xor3A_118, %shift_right_logical3A_124 : vector<16xi32>
    %or3A_126 = arith.ori %shift_left3A_122, %shift_right_logical3A_125 : vector<16xi32>
    %xor3A_127 = arith.xori %add3A_119, %or3A_126 : vector<16xi32>
    %add3A_128 = arith.addi %add3A_119, %xor3A_127 : vector<16xi32>
    %shift_left3A_129 = arith.constant 6 : i32
    %shift_left3A_130 = vector.broadcast %shift_left3A_129 : i32 to vector<16xi32>
    %shift_left3A_131 = arith.shli %xor3A_127, %shift_left3A_130 : vector<16xi32>
    %shift_right_logical3A_132 = arith.constant 26 : i32
    %shift_right_logical3A_133 = vector.broadcast %shift_right_logical3A_132 : i32 to vector<16xi32>
    %shift_right_logical3A_134 = arith.shrui %xor3A_127, %shift_right_logical3A_133 : vector<16xi32>
    %or3A_135 = arith.ori %shift_left3A_131, %shift_right_logical3A_134 : vector<16xi32>
    %xor3A_136 = arith.xori %add3A_128, %or3A_135 : vector<16xi32>
    %add3A_137 = arith.constant 64467757 : i32
    %add3A_138 = vector.broadcast %add3A_137 : i32 to vector<16xi32>
    %add3A_139 = arith.addi %add3A_128, %add3A_138 : vector<16xi32>
    %add3A_140 = arith.constant -1378843660 : i32
    %add3A_141 = vector.broadcast %add3A_140 : i32 to vector<16xi32>
    %add3A_142 = arith.addi %xor3A_136, %add3A_141 : vector<16xi32>
    %add3A_143 = arith.constant 3 : i32
    %add3A_144 = vector.broadcast %add3A_143 : i32 to vector<16xi32>
    %add3A_145 = arith.addi %add3A_142, %add3A_144 : vector<16xi32>
    %add3A_146 = arith.addi %add3A_139, %add3A_145 : vector<16xi32>
    %shift_left3A_147 = arith.constant 17 : i32
    %shift_left3A_148 = vector.broadcast %shift_left3A_147 : i32 to vector<16xi32>
    %shift_left3A_149 = arith.shli %add3A_145, %shift_left3A_148 : vector<16xi32>
    %shift_right_logical3A_150 = arith.constant 15 : i32
    %shift_right_logical3A_151 = vector.broadcast %shift_right_logical3A_150 : i32 to vector<16xi32>
    %shift_right_logical3A_152 = arith.shrui %add3A_145, %shift_right_logical3A_151 : vector<16xi32>
    %or3A_153 = arith.ori %shift_left3A_149, %shift_right_logical3A_152 : vector<16xi32>
    %xor3A_154 = arith.xori %add3A_146, %or3A_153 : vector<16xi32>
    %add3A_155 = arith.addi %add3A_146, %xor3A_154 : vector<16xi32>
    %shift_left3A_156 = arith.constant 29 : i32
    %shift_left3A_157 = vector.broadcast %shift_left3A_156 : i32 to vector<16xi32>
    %shift_left3A_158 = arith.shli %xor3A_154, %shift_left3A_157 : vector<16xi32>
    %shift_right_logical3A_159 = arith.constant 3 : i32
    %shift_right_logical3A_160 = vector.broadcast %shift_right_logical3A_159 : i32 to vector<16xi32>
    %shift_right_logical3A_161 = arith.shrui %xor3A_154, %shift_right_logical3A_160 : vector<16xi32>
    %or3A_162 = arith.ori %shift_left3A_158, %shift_right_logical3A_161 : vector<16xi32>
    %xor3A_163 = arith.xori %add3A_155, %or3A_162 : vector<16xi32>
    %add3A_164 = arith.addi %add3A_155, %xor3A_163 : vector<16xi32>
    %shift_left3A_165 = arith.constant 16 : i32
    %shift_left3A_166 = vector.broadcast %shift_left3A_165 : i32 to vector<16xi32>
    %shift_left3A_167 = arith.shli %xor3A_163, %shift_left3A_166 : vector<16xi32>
    %shift_right_logical3A_168 = arith.constant 16 : i32
    %shift_right_logical3A_169 = vector.broadcast %shift_right_logical3A_168 : i32 to vector<16xi32>
    %shift_right_logical3A_170 = arith.shrui %xor3A_163, %shift_right_logical3A_169 : vector<16xi32>
    %or3A_171 = arith.ori %shift_left3A_167, %shift_right_logical3A_170 : vector<16xi32>
    %xor3A_172 = arith.xori %add3A_164, %or3A_171 : vector<16xi32>
    %add3A_173 = arith.addi %add3A_164, %xor3A_172 : vector<16xi32>
    %shift_left3A_174 = arith.constant 24 : i32
    %shift_left3A_175 = vector.broadcast %shift_left3A_174 : i32 to vector<16xi32>
    %shift_left3A_176 = arith.shli %xor3A_172, %shift_left3A_175 : vector<16xi32>
    %shift_right_logical3A_177 = arith.constant 8 : i32
    %shift_right_logical3A_178 = vector.broadcast %shift_right_logical3A_177 : i32 to vector<16xi32>
    %shift_right_logical3A_179 = arith.shrui %xor3A_172, %shift_right_logical3A_178 : vector<16xi32>
    %or3A_180 = arith.ori %shift_left3A_176, %shift_right_logical3A_179 : vector<16xi32>
    %xor3A_181 = arith.xori %add3A_173, %or3A_180 : vector<16xi32>
    %add3A_182 = arith.constant -1378843660 : i32
    %add3A_183 = vector.broadcast %add3A_182 : i32 to vector<16xi32>
    %add3A_184 = arith.addi %add3A_173, %add3A_183 : vector<16xi32>
    %add3A_185 = arith.constant -1244255485 : i32
    %add3A_186 = vector.broadcast %add3A_185 : i32 to vector<16xi32>
    %add3A_187 = arith.addi %xor3A_181, %add3A_186 : vector<16xi32>
    %add3A_188 = arith.constant 4 : i32
    %add3A_189 = vector.broadcast %add3A_188 : i32 to vector<16xi32>
    %add3A_190 = arith.addi %add3A_187, %add3A_189 : vector<16xi32>
    %add3A_191 = arith.addi %add3A_184, %add3A_190 : vector<16xi32>
    %shift_left3A_192 = arith.constant 13 : i32
    %shift_left3A_193 = vector.broadcast %shift_left3A_192 : i32 to vector<16xi32>
    %shift_left3A_194 = arith.shli %add3A_190, %shift_left3A_193 : vector<16xi32>
    %shift_right_logical3A_195 = arith.constant 19 : i32
    %shift_right_logical3A_196 = vector.broadcast %shift_right_logical3A_195 : i32 to vector<16xi32>
    %shift_right_logical3A_197 = arith.shrui %add3A_190, %shift_right_logical3A_196 : vector<16xi32>
    %or3A_198 = arith.ori %shift_left3A_194, %shift_right_logical3A_197 : vector<16xi32>
    %xor3A_199 = arith.xori %add3A_191, %or3A_198 : vector<16xi32>
    %add3A_200 = arith.addi %add3A_191, %xor3A_199 : vector<16xi32>
    %shift_left3A_201 = arith.constant 15 : i32
    %shift_left3A_202 = vector.broadcast %shift_left3A_201 : i32 to vector<16xi32>
    %shift_left3A_203 = arith.shli %xor3A_199, %shift_left3A_202 : vector<16xi32>
    %shift_right_logical3A_204 = arith.constant 17 : i32
    %shift_right_logical3A_205 = vector.broadcast %shift_right_logical3A_204 : i32 to vector<16xi32>
    %shift_right_logical3A_206 = arith.shrui %xor3A_199, %shift_right_logical3A_205 : vector<16xi32>
    %or3A_207 = arith.ori %shift_left3A_203, %shift_right_logical3A_206 : vector<16xi32>
    %xor3A_208 = arith.xori %add3A_200, %or3A_207 : vector<16xi32>
    %add3A_209 = arith.addi %add3A_200, %xor3A_208 : vector<16xi32>
    %shift_left3A_210 = arith.constant 26 : i32
    %shift_left3A_211 = vector.broadcast %shift_left3A_210 : i32 to vector<16xi32>
    %shift_left3A_212 = arith.shli %xor3A_208, %shift_left3A_211 : vector<16xi32>
    %shift_right_logical3A_213 = arith.constant 6 : i32
    %shift_right_logical3A_214 = vector.broadcast %shift_right_logical3A_213 : i32 to vector<16xi32>
    %shift_right_logical3A_215 = arith.shrui %xor3A_208, %shift_right_logical3A_214 : vector<16xi32>
    %or3A_216 = arith.ori %shift_left3A_212, %shift_right_logical3A_215 : vector<16xi32>
    %xor3A_217 = arith.xori %add3A_209, %or3A_216 : vector<16xi32>
    %add3A_218 = arith.addi %add3A_209, %xor3A_217 : vector<16xi32>
    %shift_left3A_219 = arith.constant 6 : i32
    %shift_left3A_220 = vector.broadcast %shift_left3A_219 : i32 to vector<16xi32>
    %shift_left3A_221 = arith.shli %xor3A_217, %shift_left3A_220 : vector<16xi32>
    %shift_right_logical3A_222 = arith.constant 26 : i32
    %shift_right_logical3A_223 = vector.broadcast %shift_right_logical3A_222 : i32 to vector<16xi32>
    %shift_right_logical3A_224 = arith.shrui %xor3A_217, %shift_right_logical3A_223 : vector<16xi32>
    %or3A_225 = arith.ori %shift_left3A_221, %shift_right_logical3A_224 : vector<16xi32>
    %xor3A_226 = arith.xori %add3A_218, %or3A_225 : vector<16xi32>
    %add3A_227 = arith.constant -1244255485 : i32
    %add3A_228 = vector.broadcast %add3A_227 : i32 to vector<16xi32>
    %add3A_229 = arith.addi %add3A_218, %add3A_228 : vector<16xi32>
    %add3A_230 = arith.constant 64467757 : i32
    %add3A_231 = vector.broadcast %add3A_230 : i32 to vector<16xi32>
    %add3A_232 = arith.addi %xor3A_226, %add3A_231 : vector<16xi32>
    %add3A_233 = arith.constant 5 : i32
    %add3A_234 = vector.broadcast %add3A_233 : i32 to vector<16xi32>
    %add3A_235 = arith.addi %add3A_232, %add3A_234 : vector<16xi32>
    %xor3A_236 = arith.xori %add3A_229, %add3A_235 : vector<16xi32>
    %shift_right_logical3A_237 = arith.constant 9 : i32
    %shift_right_logical3A_238 = vector.broadcast %shift_right_logical3A_237 : i32 to vector<16xi32>
    %shift_right_logical3A_239 = arith.shrui %xor3A_236, %shift_right_logical3A_238 : vector<16xi32>
    %or3A_240 = arith.constant 1065353216 : i32
    %or3A_241 = vector.broadcast %or3A_240 : i32 to vector<16xi32>
    %or3A_242 = arith.ori %shift_right_logical3A_239, %or3A_241 : vector<16xi32>
    %bitcast_convert_type3A = tpu.bitcast %or3A_242 : vector<16xi32> -> vector<16xf32>
    %sub3A = arith.constant 1.000000e+00 : f32
    %sub3A_243 = vector.broadcast %sub3A : f32 to vector<16xf32>
    %sub3A_244 = arith.subf %bitcast_convert_type3A, %sub3A_243 : vector<16xf32>
    %convert_element_type3A = arith.uitofp %iota3A : vector<16xi32> to vector<16xf32>
    %add3A_245 = arith.constant 1.000000e+00 : f32
    %add3A_246 = vector.broadcast %add3A_245 : f32 to vector<16xf32>
    %add3A_247 = arith.addf %convert_element_type3A, %add3A_246 : vector<16xf32>
    %div3A = arith.constant 1.000000e+03 : f32
    %div3A_248 = vector.broadcast %div3A : f32 to vector<16xf32>
    %div3A_249 = arith.divf %add3A_247, %div3A_248 : vector<16xf32>
    %exp3A = math.exp %div3A_249 : vector<16xf32>
    %add3A_250 = arith.constant 1.000000e+03 : f32
    %add3A_251 = vector.broadcast %add3A_250 : f32 to vector<16xf32>
    %add3A_252 = arith.addf %add3A_251, %exp3A : vector<16xf32>
    %div3A_253 = arith.constant 1.000000e+03 : f32
    %div3A_254 = vector.broadcast %div3A_253 : f32 to vector<16xf32>
    %div3A_255 = arith.divf %div3A_254, %add3A_252 : vector<16xf32>
    %lt3A = arith.cmpf olt, %sub3A_244, %div3A_255 : vector<16xf32>
    %get3A = arith.constant 0 : i32
    %get3A_256 = arith.index_cast %get3A : i32 to index
    %get3A_257 = arith.constant 0 : index
    %get3A_258 = tpu.vector_load %arg4[%get3A_256, %get3A_257] {strides = array<i32>} : memref<2x16xf32, #tpu.memory_space<vmem>>, vector<1x16xf32>,
    %get3A_259 = vector.shape_cast %get3A_258 : vector<1x16xf32> to vector<16xf32>
    %jit3A = arith.constant -1.000000e+00 : f32
    %broadcast_in_dim3A_260 = vector.broadcast %jit3A : f32 to vector<16xf32>
    %select_n3A = arith.select %lt3A, %get3A_259, %broadcast_in_dim3A_260 : vector<16xi1>, vector<16xf32>
    %swap3A = arith.constant 0 : i32
    %swap3A_261 = arith.index_cast %swap3A : i32 to index
    %swap3A_262 = arith.constant 0 : index
    %swap3A_263 = tpu.vector_load %arg4[%swap3A_261, %swap3A_262] {strides = array<i32>} : memref<2x16xf32, #tpu.memory_space<vmem>>, vector<1x16xf32>,
    %swap3A_264 = vector.shape_cast %swap3A_263 : vector<1x16xf32> to vector<16xf32>
    %swap3A_265 = vector.shape_cast %select_n3A : vector<16xf32> to vector<1x16xf32>
    tpu.vector_store %arg4[%swap3A_261, %swap3A_262], %swap3A_265 {strides = array<i32>} : memref<2x16xf32, #tpu.memory_space<vmem>>, vector<1x16xf32>,
    %mul3A_266 = arith.constant 2 : i32
    %mul3A_267 = arith.muli %arg1, %mul3A_266 : i32
    %add3A_268 = arith.constant 1 : i32
    %add3A_269 = arith.addi %mul3A_267, %add3A_268 : i32
    %iota3A_270 = tpu.iota {dimensions = array<i32: 0>} : vector<16xi32>
    %mul3A_271 = arith.constant 16 : i32
    %mul3A_272 = arith.muli %add3A_269, %mul3A_271 : i32
    %add3A_273 = vector.broadcast %mul3A_272 : i32 to vector<16xi32>
    %add3A_274 = arith.addi %add3A_273, %iota3A_270 : vector<16xi32>
    %broadcast_in_dim3A_275 = arith.constant 0 : i32
    %broadcast_in_dim3A_276 = vector.broadcast %broadcast_in_dim3A_275 : i32 to vector<16xi32>
    %add3A_277 = arith.constant 64467757 : i32
    %add3A_278 = vector.broadcast %add3A_277 : i32 to vector<16xi32>
    %add3A_279 = arith.addi %broadcast_in_dim3A_276, %add3A_278 : vector<16xi32>
    %add3A_280 = arith.constant -1378843660 : i32
    %add3A_281 = vector.broadcast %add3A_280 : i32 to vector<16xi32>
    %add3A_282 = arith.addi %add3A_274, %add3A_281 : vector<16xi32>
    %add3A_283 = arith.addi %add3A_279, %add3A_282 : vector<16xi32>
    %shift_left3A_284 = arith.constant 13 : i32
    %shift_left3A_285 = vector.broadcast %shift_left3A_284 : i32 to vector<16xi32>
    %shift_left3A_286 = arith.shli %add3A_282, %shift_left3A_285 : vector<16xi32>
    %shift_right_logical3A_287 = arith.constant 19 : i32
    %shift_right_logical3A_288 = vector.broadcast %shift_right_logical3A_287 : i32 to vector<16xi32>
    %shift_right_logical3A_289 = arith.shrui %add3A_282, %shift_right_logical3A_288 : vector<16xi32>
    %or3A_290 = arith.ori %shift_left3A_286, %shift_right_logical3A_289 : vector<16xi32>
    %xor3A_291 = arith.xori %add3A_283, %or3A_290 : vector<16xi32>
    %add3A_292 = arith.addi %add3A_283, %xor3A_291 : vector<16xi32>
    %shift_left3A_293 = arith.constant 15 : i32
    %shift_left3A_294 = vector.broadcast %shift_left3A_293 : i32 to vector<16xi32>
    %shift_left3A_295 = arith.shli %xor3A_291, %shift_left3A_294 : vector<16xi32>
    %shift_right_logical3A_296 = arith.constant 17 : i32
    %shift_right_logical3A_297 = vector.broadcast %shift_right_logical3A_296 : i32 to vector<16xi32>
    %shift_right_logical3A_298 = arith.shrui %xor3A_291, %shift_right_logical3A_297 : vector<16xi32>
    %or3A_299 = arith.ori %shift_left3A_295, %shift_right_logical3A_298 : vector<16xi32>
    %xor3A_300 = arith.xori %add3A_292, %or3A_299 : vector<16xi32>
    %add3A_301 = arith.addi %add3A_292, %xor3A_300 : vector<16xi32>
    %shift_left3A_302 = arith.constant 26 : i32
    %shift_left3A_303 = vector.broadcast %shift_left3A_302 : i32 to vector<16xi32>
    %shift_left3A_304 = arith.shli %xor3A_300, %shift_left3A_303 : vector<16xi32>
    %shift_right_logical3A_305 = arith.constant 6 : i32
    %shift_right_logical3A_306 = vector.broadcast %shift_right_logical3A_305 : i32 to vector<16xi32>
    %shift_right_logical3A_307 = arith.shrui %xor3A_300, %shift_right_logical3A_306 : vector<16xi32>
    %or3A_308 = arith.ori %shift_left3A_304, %shift_right_logical3A_307 : vector<16xi32>
    %xor3A_309 = arith.xori %add3A_301, %or3A_308 : vector<16xi32>
    %add3A_310 = arith.addi %add3A_301, %xor3A_309 : vector<16xi32>
    %shift_left3A_311 = arith.constant 6 : i32
    %shift_left3A_312 = vector.broadcast %shift_left3A_311 : i32 to vector<16xi32>
    %shift_left3A_313 = arith.shli %xor3A_309, %shift_left3A_312 : vector<16xi32>
    %shift_right_logical3A_314 = arith.constant 26 : i32
    %shift_right_logical3A_315 = vector.broadcast %shift_right_logical3A_314 : i32 to vector<16xi32>
    %shift_right_logical3A_316 = arith.shrui %xor3A_309, %shift_right_logical3A_315 : vector<16xi32>
    %or3A_317 = arith.ori %shift_left3A_313, %shift_right_logical3A_316 : vector<16xi32>
    %xor3A_318 = arith.xori %add3A_310, %or3A_317 : vector<16xi32>
    %add3A_319 = arith.constant -1378843660 : i32
    %add3A_320 = vector.broadcast %add3A_319 : i32 to vector<16xi32>
    %add3A_321 = arith.addi %add3A_310, %add3A_320 : vector<16xi32>
    %add3A_322 = arith.constant -1244255485 : i32
    %add3A_323 = vector.broadcast %add3A_322 : i32 to vector<16xi32>
    %add3A_324 = arith.addi %xor3A_318, %add3A_323 : vector<16xi32>
    %add3A_325 = arith.constant 1 : i32
    %add3A_326 = vector.broadcast %add3A_325 : i32 to vector<16xi32>
    %add3A_327 = arith.addi %add3A_324, %add3A_326 : vector<16xi32>
    %add3A_328 = arith.addi %add3A_321, %add3A_327 : vector<16xi32>
    %shift_left3A_329 = arith.constant 17 : i32
    %shift_left3A_330 = vector.broadcast %shift_left3A_329 : i32 to vector<16xi32>
    %shift_left3A_331 = arith.shli %add3A_327, %shift_left3A_330 : vector<16xi32>
    %shift_right_logical3A_332 = arith.constant 15 : i32
    %shift_right_logical3A_333 = vector.broadcast %shift_right_logical3A_332 : i32 to vector<16xi32>
    %shift_right_logical3A_334 = arith.shrui %add3A_327, %shift_right_logical3A_333 : vector<16xi32>
    %or3A_335 = arith.ori %shift_left3A_331, %shift_right_logical3A_334 : vector<16xi32>
    %xor3A_336 = arith.xori %add3A_328, %or3A_335 : vector<16xi32>
    %add3A_337 = arith.addi %add3A_328, %xor3A_336 : vector<16xi32>
    %shift_left3A_338 = arith.constant 29 : i32
    %shift_left3A_339 = vector.broadcast %shift_left3A_338 : i32 to vector<16xi32>
    %shift_left3A_340 = arith.shli %xor3A_336, %shift_left3A_339 : vector<16xi32>
    %shift_right_logical3A_341 = arith.constant 3 : i32
    %shift_right_logical3A_342 = vector.broadcast %shift_right_logical3A_341 : i32 to vector<16xi32>
    %shift_right_logical3A_343 = arith.shrui %xor3A_336, %shift_right_logical3A_342 : vector<16xi32>
    %or3A_344 = arith.ori %shift_left3A_340, %shift_right_logical3A_343 : vector<16xi32>
    %xor3A_345 = arith.xori %add3A_337, %or3A_344 : vector<16xi32>
    %add3A_346 = arith.addi %add3A_337, %xor3A_345 : vector<16xi32>
    %shift_left3A_347 = arith.constant 16 : i32
    %shift_left3A_348 = vector.broadcast %shift_left3A_347 : i32 to vector<16xi32>
    %shift_left3A_349 = arith.shli %xor3A_345, %shift_left3A_348 : vector<16xi32>
    %shift_right_logical3A_350 = arith.constant 16 : i32
    %shift_right_logical3A_351 = vector.broadcast %shift_right_logical3A_350 : i32 to vector<16xi32>
    %shift_right_logical3A_352 = arith.shrui %xor3A_345, %shift_right_logical3A_351 : vector<16xi32>
    %or3A_353 = arith.ori %shift_left3A_349, %shift_right_logical3A_352 : vector<16xi32>
    %xor3A_354 = arith.xori %add3A_346, %or3A_353 : vector<16xi32>
    %add3A_355 = arith.addi %add3A_346, %xor3A_354 : vector<16xi32>
    %shift_left3A_356 = arith.constant 24 : i32
    %shift_left3A_357 = vector.broadcast %shift_left3A_356 : i32 to vector<16xi32>
    %shift_left3A_358 = arith.shli %xor3A_354, %shift_left3A_357 : vector<16xi32>
    %shift_right_logical3A_359 = arith.constant 8 : i32
    %shift_right_logical3A_360 = vector.broadcast %shift_right_logical3A_359 : i32 to vector<16xi32>
    %shift_right_logical3A_361 = arith.shrui %xor3A_354, %shift_right_logical3A_360 : vector<16xi32>
    %or3A_362 = arith.ori %shift_left3A_358, %shift_right_logical3A_361 : vector<16xi32>
    %xor3A_363 = arith.xori %add3A_355, %or3A_362 : vector<16xi32>
    %add3A_364 = arith.constant -1244255485 : i32
    %add3A_365 = vector.broadcast %add3A_364 : i32 to vector<16xi32>
    %add3A_366 = arith.addi %add3A_355, %add3A_365 : vector<16xi32>
    %add3A_367 = arith.constant 64467757 : i32
    %add3A_368 = vector.broadcast %add3A_367 : i32 to vector<16xi32>
    %add3A_369 = arith.addi %xor3A_363, %add3A_368 : vector<16xi32>
    %add3A_370 = arith.constant 2 : i32
    %add3A_371 = vector.broadcast %add3A_370 : i32 to vector<16xi32>
    %add3A_372 = arith.addi %add3A_369, %add3A_371 : vector<16xi32>
    %add3A_373 = arith.addi %add3A_366, %add3A_372 : vector<16xi32>
    %shift_left3A_374 = arith.constant 13 : i32
    %shift_left3A_375 = vector.broadcast %shift_left3A_374 : i32 to vector<16xi32>
    %shift_left3A_376 = arith.shli %add3A_372, %shift_left3A_375 : vector<16xi32>
    %shift_right_logical3A_377 = arith.constant 19 : i32
    %shift_right_logical3A_378 = vector.broadcast %shift_right_logical3A_377 : i32 to vector<16xi32>
    %shift_right_logical3A_379 = arith.shrui %add3A_372, %shift_right_logical3A_378 : vector<16xi32>
    %or3A_380 = arith.ori %shift_left3A_376, %shift_right_logical3A_379 : vector<16xi32>
    %xor3A_381 = arith.xori %add3A_373, %or3A_380 : vector<16xi32>
    %add3A_382 = arith.addi %add3A_373, %xor3A_381 : vector<16xi32>
    %shift_left3A_383 = arith.constant 15 : i32
    %shift_left3A_384 = vector.broadcast %shift_left3A_383 : i32 to vector<16xi32>
    %shift_left3A_385 = arith.shli %xor3A_381, %shift_left3A_384 : vector<16xi32>
    %shift_right_logical3A_386 = arith.constant 17 : i32
    %shift_right_logical3A_387 = vector.broadcast %shift_right_logical3A_386 : i32 to vector<16xi32>
    %shift_right_logical3A_388 = arith.shrui %xor3A_381, %shift_right_logical3A_387 : vector<16xi32>
    %or3A_389 = arith.ori %shift_left3A_385, %shift_right_logical3A_388 : vector<16xi32>
    %xor3A_390 = arith.xori %add3A_382, %or3A_389 : vector<16xi32>
    %add3A_391 = arith.addi %add3A_382, %xor3A_390 : vector<16xi32>
    %shift_left3A_392 = arith.constant 26 : i32
    %shift_left3A_393 = vector.broadcast %shift_left3A_392 : i32 to vector<16xi32>
    %shift_left3A_394 = arith.shli %xor3A_390, %shift_left3A_393 : vector<16xi32>
    %shift_right_logical3A_395 = arith.constant 6 : i32
    %shift_right_logical3A_396 = vector.broadcast %shift_right_logical3A_395 : i32 to vector<16xi32>
    %shift_right_logical3A_397 = arith.shrui %xor3A_390, %shift_right_logical3A_396 : vector<16xi32>
    %or3A_398 = arith.ori %shift_left3A_394, %shift_right_logical3A_397 : vector<16xi32>
    %xor3A_399 = arith.xori %add3A_391, %or3A_398 : vector<16xi32>
    %add3A_400 = arith.addi %add3A_391, %xor3A_399 : vector<16xi32>
    %shift_left3A_401 = arith.constant 6 : i32
    %shift_left3A_402 = vector.broadcast %shift_left3A_401 : i32 to vector<16xi32>
    %shift_left3A_403 = arith.shli %xor3A_399, %shift_left3A_402 : vector<16xi32>
    %shift_right_logical3A_404 = arith.constant 26 : i32
    %shift_right_logical3A_405 = vector.broadcast %shift_right_logical3A_404 : i32 to vector<16xi32>
    %shift_right_logical3A_406 = arith.shrui %xor3A_399, %shift_right_logical3A_405 : vector<16xi32>
    %or3A_407 = arith.ori %shift_left3A_403, %shift_right_logical3A_406 : vector<16xi32>
    %xor3A_408 = arith.xori %add3A_400, %or3A_407 : vector<16xi32>
    %add3A_409 = arith.constant 64467757 : i32
    %add3A_410 = vector.broadcast %add3A_409 : i32 to vector<16xi32>
    %add3A_411 = arith.addi %add3A_400, %add3A_410 : vector<16xi32>
    %add3A_412 = arith.constant -1378843660 : i32
    %add3A_413 = vector.broadcast %add3A_412 : i32 to vector<16xi32>
    %add3A_414 = arith.addi %xor3A_408, %add3A_413 : vector<16xi32>
    %add3A_415 = arith.constant 3 : i32
    %add3A_416 = vector.broadcast %add3A_415 : i32 to vector<16xi32>
    %add3A_417 = arith.addi %add3A_414, %add3A_416 : vector<16xi32>
    %add3A_418 = arith.addi %add3A_411, %add3A_417 : vector<16xi32>
    %shift_left3A_419 = arith.constant 17 : i32
    %shift_left3A_420 = vector.broadcast %shift_left3A_419 : i32 to vector<16xi32>
    %shift_left3A_421 = arith.shli %add3A_417, %shift_left3A_420 : vector<16xi32>
    %shift_right_logical3A_422 = arith.constant 15 : i32
    %shift_right_logical3A_423 = vector.broadcast %shift_right_logical3A_422 : i32 to vector<16xi32>
    %shift_right_logical3A_424 = arith.shrui %add3A_417, %shift_right_logical3A_423 : vector<16xi32>
    %or3A_425 = arith.ori %shift_left3A_421, %shift_right_logical3A_424 : vector<16xi32>
    %xor3A_426 = arith.xori %add3A_418, %or3A_425 : vector<16xi32>
    %add3A_427 = arith.addi %add3A_418, %xor3A_426 : vector<16xi32>
    %shift_left3A_428 = arith.constant 29 : i32
    %shift_left3A_429 = vector.broadcast %shift_left3A_428 : i32 to vector<16xi32>
    %shift_left3A_430 = arith.shli %xor3A_426, %shift_left3A_429 : vector<16xi32>
    %shift_right_logical3A_431 = arith.constant 3 : i32
    %shift_right_logical3A_432 = vector.broadcast %shift_right_logical3A_431 : i32 to vector<16xi32>
    %shift_right_logical3A_433 = arith.shrui %xor3A_426, %shift_right_logical3A_432 : vector<16xi32>
    %or3A_434 = arith.ori %shift_left3A_430, %shift_right_logical3A_433 : vector<16xi32>
    %xor3A_435 = arith.xori %add3A_427, %or3A_434 : vector<16xi32>
    %add3A_436 = arith.addi %add3A_427, %xor3A_435 : vector<16xi32>
    %shift_left3A_437 = arith.constant 16 : i32
    %shift_left3A_438 = vector.broadcast %shift_left3A_437 : i32 to vector<16xi32>
    %shift_left3A_439 = arith.shli %xor3A_435, %shift_left3A_438 : vector<16xi32>
    %shift_right_logical3A_440 = arith.constant 16 : i32
    %shift_right_logical3A_441 = vector.broadcast %shift_right_logical3A_440 : i32 to vector<16xi32>
    %shift_right_logical3A_442 = arith.shrui %xor3A_435, %shift_right_logical3A_441 : vector<16xi32>
    %or3A_443 = arith.ori %shift_left3A_439, %shift_right_logical3A_442 : vector<16xi32>
    %xor3A_444 = arith.xori %add3A_436, %or3A_443 : vector<16xi32>
    %add3A_445 = arith.addi %add3A_436, %xor3A_444 : vector<16xi32>
    %shift_left3A_446 = arith.constant 24 : i32
    %shift_left3A_447 = vector.broadcast %shift_left3A_446 : i32 to vector<16xi32>
    %shift_left3A_448 = arith.shli %xor3A_444, %shift_left3A_447 : vector<16xi32>
    %shift_right_logical3A_449 = arith.constant 8 : i32
    %shift_right_logical3A_450 = vector.broadcast %shift_right_logical3A_449 : i32 to vector<16xi32>
    %shift_right_logical3A_451 = arith.shrui %xor3A_444, %shift_right_logical3A_450 : vector<16xi32>
    %or3A_452 = arith.ori %shift_left3A_448, %shift_right_logical3A_451 : vector<16xi32>
    %xor3A_453 = arith.xori %add3A_445, %or3A_452 : vector<16xi32>
    %add3A_454 = arith.constant -1378843660 : i32
    %add3A_455 = vector.broadcast %add3A_454 : i32 to vector<16xi32>
    %add3A_456 = arith.addi %add3A_445, %add3A_455 : vector<16xi32>
    %add3A_457 = arith.constant -1244255485 : i32
    %add3A_458 = vector.broadcast %add3A_457 : i32 to vector<16xi32>
    %add3A_459 = arith.addi %xor3A_453, %add3A_458 : vector<16xi32>
    %add3A_460 = arith.constant 4 : i32
    %add3A_461 = vector.broadcast %add3A_460 : i32 to vector<16xi32>
    %add3A_462 = arith.addi %add3A_459, %add3A_461 : vector<16xi32>
    %add3A_463 = arith.addi %add3A_456, %add3A_462 : vector<16xi32>
    %shift_left3A_464 = arith.constant 13 : i32
    %shift_left3A_465 = vector.broadcast %shift_left3A_464 : i32 to vector<16xi32>
    %shift_left3A_466 = arith.shli %add3A_462, %shift_left3A_465 : vector<16xi32>
    %shift_right_logical3A_467 = arith.constant 19 : i32
    %shift_right_logical3A_468 = vector.broadcast %shift_right_logical3A_467 : i32 to vector<16xi32>
    %shift_right_logical3A_469 = arith.shrui %add3A_462, %shift_right_logical3A_468 : vector<16xi32>
    %or3A_470 = arith.ori %shift_left3A_466, %shift_right_logical3A_469 : vector<16xi32>
    %xor3A_471 = arith.xori %add3A_463, %or3A_470 : vector<16xi32>
    %add3A_472 = arith.addi %add3A_463, %xor3A_471 : vector<16xi32>
    %shift_left3A_473 = arith.constant 15 : i32
    %shift_left3A_474 = vector.broadcast %shift_left3A_473 : i32 to vector<16xi32>
    %shift_left3A_475 = arith.shli %xor3A_471, %shift_left3A_474 : vector<16xi32>
    %shift_right_logical3A_476 = arith.constant 17 : i32
    %shift_right_logical3A_477 = vector.broadcast %shift_right_logical3A_476 : i32 to vector<16xi32>
    %shift_right_logical3A_478 = arith.shrui %xor3A_471, %shift_right_logical3A_477 : vector<16xi32>
    %or3A_479 = arith.ori %shift_left3A_475, %shift_right_logical3A_478 : vector<16xi32>
    %xor3A_480 = arith.xori %add3A_472, %or3A_479 : vector<16xi32>
    %add3A_481 = arith.addi %add3A_472, %xor3A_480 : vector<16xi32>
    %shift_left3A_482 = arith.constant 26 : i32
    %shift_left3A_483 = vector.broadcast %shift_left3A_482 : i32 to vector<16xi32>
    %shift_left3A_484 = arith.shli %xor3A_480, %shift_left3A_483 : vector<16xi32>
    %shift_right_logical3A_485 = arith.constant 6 : i32
    %shift_right_logical3A_486 = vector.broadcast %shift_right_logical3A_485 : i32 to vector<16xi32>
    %shift_right_logical3A_487 = arith.shrui %xor3A_480, %shift_right_logical3A_486 : vector<16xi32>
    %or3A_488 = arith.ori %shift_left3A_484, %shift_right_logical3A_487 : vector<16xi32>
    %xor3A_489 = arith.xori %add3A_481, %or3A_488 : vector<16xi32>
    %add3A_490 = arith.addi %add3A_481, %xor3A_489 : vector<16xi32>
    %shift_left3A_491 = arith.constant 6 : i32
    %shift_left3A_492 = vector.broadcast %shift_left3A_491 : i32 to vector<16xi32>
    %shift_left3A_493 = arith.shli %xor3A_489, %shift_left3A_492 : vector<16xi32>
    %shift_right_logical3A_494 = arith.constant 26 : i32
    %shift_right_logical3A_495 = vector.broadcast %shift_right_logical3A_494 : i32 to vector<16xi32>
    %shift_right_logical3A_496 = arith.shrui %xor3A_489, %shift_right_logical3A_495 : vector<16xi32>
    %or3A_497 = arith.ori %shift_left3A_493, %shift_right_logical3A_496 : vector<16xi32>
    %xor3A_498 = arith.xori %add3A_490, %or3A_497 : vector<16xi32>
    %add3A_499 = arith.constant -1244255485 : i32
    %add3A_500 = vector.broadcast %add3A_499 : i32 to vector<16xi32>
    %add3A_501 = arith.addi %add3A_490, %add3A_500 : vector<16xi32>
    %add3A_502 = arith.constant 64467757 : i32
    %add3A_503 = vector.broadcast %add3A_502 : i32 to vector<16xi32>
    %add3A_504 = arith.addi %xor3A_498, %add3A_503 : vector<16xi32>
    %add3A_505 = arith.constant 5 : i32
    %add3A_506 = vector.broadcast %add3A_505 : i32 to vector<16xi32>
    %add3A_507 = arith.addi %add3A_504, %add3A_506 : vector<16xi32>
    %xor3A_508 = arith.xori %add3A_501, %add3A_507 : vector<16xi32>
    %shift_right_logical3A_509 = arith.constant 9 : i32
    %shift_right_logical3A_510 = vector.broadcast %shift_right_logical3A_509 : i32 to vector<16xi32>
    %shift_right_logical3A_511 = arith.shrui %xor3A_508, %shift_right_logical3A_510 : vector<16xi32>
    %or3A_512 = arith.constant 1065353216 : i32
    %or3A_513 = vector.broadcast %or3A_512 : i32 to vector<16xi32>
    %or3A_514 = arith.ori %shift_right_logical3A_511, %or3A_513 : vector<16xi32>
    %bitcast_convert_type3A_515 = tpu.bitcast %or3A_514 : vector<16xi32> -> vector<16xf32>
    %sub3A_516 = arith.constant 1.000000e+00 : f32
    %sub3A_517 = vector.broadcast %sub3A_516 : f32 to vector<16xf32>
    %sub3A_518 = arith.subf %bitcast_convert_type3A_515, %sub3A_517 : vector<16xf32>
    %convert_element_type3A_519 = arith.uitofp %iota3A_270 : vector<16xi32> to vector<16xf32>
    %add3A_520 = arith.constant 1.000000e+00 : f32
    %add3A_521 = vector.broadcast %add3A_520 : f32 to vector<16xf32>
    %add3A_522 = arith.addf %convert_element_type3A_519, %add3A_521 : vector<16xf32>
    %div3A_523 = arith.constant 1.000000e+03 : f32
    %div3A_524 = vector.broadcast %div3A_523 : f32 to vector<16xf32>
    %div3A_525 = arith.divf %add3A_522, %div3A_524 : vector<16xf32>
    %exp3A_526 = math.exp %div3A_525 : vector<16xf32>
    %add3A_527 = arith.constant 1.000000e+03 : f32
    %add3A_528 = vector.broadcast %add3A_527 : f32 to vector<16xf32>
    %add3A_529 = arith.addf %add3A_528, %exp3A_526 : vector<16xf32>
    %div3A_530 = arith.constant 1.000000e+03 : f32
    %div3A_531 = vector.broadcast %div3A_530 : f32 to vector<16xf32>
    %div3A_532 = arith.divf %div3A_531, %add3A_529 : vector<16xf32>
    %lt3A_533 = arith.cmpf olt, %sub3A_518, %div3A_532 : vector<16xf32>
    %get3A_534 = arith.constant 1 : i32
    %get3A_535 = arith.index_cast %get3A_534 : i32 to index
    %get3A_536 = arith.constant 0 : index
    %get3A_537 = tpu.vector_load %arg4[%get3A_535, %get3A_536] {strides = array<i32>} : memref<2x16xf32, #tpu.memory_space<vmem>>, vector<1x16xf32>,
    %get3A_538 = vector.shape_cast %get3A_537 : vector<1x16xf32> to vector<16xf32>
    %jit3A_539 = arith.constant -1.000000e+00 : f32
    %broadcast_in_dim3A_540 = vector.broadcast %jit3A_539 : f32 to vector<16xf32>
    %select_n3A_541 = arith.select %lt3A_533, %get3A_538, %broadcast_in_dim3A_540 : vector<16xi1>, vector<16xf32>
    %swap3A_542 = arith.constant 1 : i32
    %swap3A_543 = arith.index_cast %swap3A_542 : i32 to index
    %swap3A_544 = arith.constant 0 : index
    %swap3A_545 = tpu.vector_load %arg4[%swap3A_543, %swap3A_544] {strides = array<i32>} : memref<2x16xf32, #tpu.memory_space<vmem>>, vector<1x16xf32>,
    %swap3A_546 = vector.shape_cast %swap3A_545 : vector<1x16xf32> to vector<16xf32>
    %swap3A_547 = vector.shape_cast %select_n3A_541 : vector<16xf32> to vector<1x16xf32>
    tpu.vector_store %arg4[%swap3A_543, %swap3A_544], %swap3A_547 {strides = array<i32>} : memref<2x16xf32, #tpu.memory_space<vmem>>, vector<1x16xf32>,
    %mul3A_548 = arith.constant 2 : i32
    %mul3A_549 = arith.muli %arg1, %mul3A_548 : i32
    "tpu.region"() ({
      %run_scoped3A = tpu.sem_alloc : memref<!tpu.dma_semaphore, #tpu.memory_space<semaphore_mem>>
      %dma_start3A = arith.constant 0 : i32
      %dma_start3A_550 = tpu.memref_slice %arg3[%mul3A_549, %dma_start3A] : memref<32x16xf32, #tpu.memory_space<hbm>> -> memref<2x16xf32, #tpu.memory_space<hbm>>
      %dma_start3A_551 = arith.constant 0 : i32
      %dma_start3A_552 = tpu.memref_slice %arg3[%mul3A_549, %dma_start3A_551] : memref<32x16xf32, #tpu.memory_space<hbm>> -> memref<2x16xf32, #tpu.memory_space<hbm>>
      tpu.enqueue_dma source(%arg4 : memref<2x16xf32, #tpu.memory_space<vmem>>) target(%dma_start3A_552 : memref<2x16xf32, #tpu.memory_space<hbm>>) target_semaphore(%run_scoped3A : memref<!tpu.dma_semaphore, #tpu.memory_space<semaphore_mem>>)
      %dma_wait3A = arith.constant 0 : i32
      %dma_wait3A_553 = tpu.memref_slice %arg3[%mul3A_549, %dma_wait3A] : memref<32x16xf32, #tpu.memory_space<hbm>> -> memref<2x16xf32, #tpu.memory_space<hbm>>
      %dma_wait3A_554 = arith.constant 0 : i32
      %dma_wait3A_555 = tpu.memref_slice %arg3[%mul3A_549, %dma_wait3A_554] : memref<32x16xf32, #tpu.memory_space<hbm>> -> memref<2x16xf32, #tpu.memory_space<hbm>>
      tpu.wait_dma2 semaphore(%run_scoped3A : memref<!tpu.dma_semaphore, #tpu.memory_space<semaphore_mem>>) src(%arg4 : memref<2x16xf32, #tpu.memory_space<vmem>>) dst(%dma_wait3A_555 : memref<2x16xf32, #tpu.memory_space<hbm>>)
      tpu.yield
    }) : () -> ()
    return
  }
}

</mosaic_0001>

<sc_bundles>
// kernel: _blend.3.cloned.1.call-start
scs
__scs_entry_jumppad:
0x0: {  	(pc) =	sbr.rel $0x88, $3  }
0x1: {  	(tag) =	ssettag $0x0;
	lr =	simm.s32 $0x1  }
0x2: {  	[smem:$0x3FA0] =	sst lr;
	_ =	strace $0xD0000000  }
0x3: {  	_ = 	snop  }
0x4: {  	_ = 	snop  }
0x5: {  	_ = 	snop  }
0x6: {  	_ = 	snop  }
0x7: {  	_ = 	snop  }
__scs_overlays_trampoline_lowered:
0x8: {  	[smem:$0x3FAF] =	sst s0  }
0x9: {  	[smem:$0x3FB0] =	sst s1  }
0xa: {  	[smem:$0x3FB1] =	sst s2  }
0xb: {  	[smem:$0x3FB2] =	sst s3  }
0xc: {  	[smem:$0x3FB3] =	sst s4  }
0xd: {  	[smem:$0x3FB4] =	sst s5  }
0xe: {  	[smem:$0x3FB5] =	sst s6  }
0xf: {  	[smem:$0x3FB6] =	sst s7  }
0x10: {  	[smem:$0x3FB7] =	sst s8  }
0x11: {  	[smem:$0x3FB8] =	sst s9;
	s0 =	simm.s32 @!p0 $0x0  }
0x12: {  	s1 =	sld [smem:$0x3F9E];
	s0 =	simm.s32 @p0 $0x1  }
0x13: {  	[smem:$0x3FB9] =	sst s0;
	s0 =	simm.s32 @!p1 $0x0  }
0x14: {  	s2 =	sld [smem:$0x3F9D];
	s0 =	simm.s32 @p1 $0x1  }
0x15: {  	[smem:$0x3FBA] =	sst s0;
	s0 =	simm.s32 @!p2 $0x0  }
0x16: {  	s3 =	sld [smem:$0x3FDB];
	s0 =	simm.s32 @p2 $0x1  }
0x17: {  	s4 =	simm.s32 $0x1BF5;
	[smem:$0x3FBC] =	sst s0  }
0x18: {  	s0 =	sld [smem:$0x3F9F];
	_ =	swait.ge [sflag:s4], $0x0  }
0x19: {  	s7 =	sld [smem:$0x3FA0]  }
0x1a: {  	s8 =	sadd.s32 $0xFFFFE003, lr  }
0x1b: {  	s9 =	sadd.s32 $0xFFFFFEF7, lr;
	s5 =	simm.s32 $0xFFFFFFFF;
	p2 =	slt.u32 s8, $0xFFFFF086  }
0x1c: {  	p1 =	slt.u32 s9, $0xF7A;
	s5 =	simm.s32 @!p2 $0x0  }
0x1d: {  	s5 =	simm.s32 @p1 $0x1;
	p0 =	seq.s32 s7, s2  }
0x1e: {  	s7 =	smul.u32 @!p0 $0xF7A, s2;
	p2 =	seq.s32 @!p0 s5, $0x0  }
0x1f: {  	s9 =	smul.u32 $0xF7A, s1;
	s8 =	simm.s32 @!p0 $0x1BF5;
	p2 =	por !p2, p0  }
0x20: {  	[sflag:s8] =	ssyncset.s32 @!p0 $0xFFFFF086;
	s6 =	sadd.s32 @!p0 s3, s7;
	s7 =	simm.s32 @!p0 $0x108  }
0x21: {  	s3 =	sadd.s32 s3, s9;
	s6 =	sadd.s32 @!p0 $0x88, s6;
	s7 =	simm.s32 @p2 $0x1082  }
0x22: {  	[simem:s7], [sflag:s8] =	dma.local @!p0 [hbm:s6], $0xF7A  }
0x23: {  	s9 =	sor.u32 $0xD0000000, s2;
	s6 =	simm.s32 $0x108;
	_ =	swait.ge @!p0 [sflag:s8], $0x0  }
0x24: {  	s3 =	sadd.s32 $0x88, s3;
	s6 =	simm.s32 @!p1 $0x1082;
	[sflag:s4] =	ssyncset.s32 $0xFFFFF086  }
0x25: {  	[simem:s6], [sflag:s4] =	dma.local [hbm:s3], $0xF7A  }
0x26: {  	[smem:$0x3FA0] =	sst s1;
	(tag) =	ssettag s2;
	_ =	strace s9  }
0x27: {  	s1 =	sld [smem:$0x3FB0]  }
0x28: {  	s2 =	sld [smem:$0x3FB1]  }
0x29: {  	s4 =	sld [smem:$0x3FB3]  }
0x2a: {  	p0 =	seq.s32 s5, $0x0;
	s5 =	sld [smem:$0x3FB4]  }
0x2b: {  	s6 =	sld [smem:$0x3FB5]  }
0x2c: {  	s7 =	sld [smem:$0x3FB6]  }
0x2d: {  	s3 =	simm.s32 $0x108;
	s8 =	sld [smem:$0x3FB7]  }
0x2e: {  	s3 =	simm.s32 @!p0 $0x1082;
	s9 =	sld [smem:$0x3FB8]  }
0x2f: {  	lr =	sadd.s32 s0, s3;
	s0 =	sld [smem:$0x3FAF]  }
0x30: {  	s3 =	sld [smem:$0x3FB2]  }
0x31: {  	[smem:$0x3FBB] =	sst s10  }
0x32: {  	s10 =	sld [smem:$0x3FB9];
	_ =	sdelay $0x3  }
0x33: {  	p0 =	seq.s32 s10, $0x1;
	s10 =	sld [smem:$0x3FBB];
	_ =	sdelay $0x3  }
0x34: {  	[smem:$0x3FBB] =	sst s10  }
0x35: {  	s10 =	sld [smem:$0x3FBA];
	_ =	sdelay $0x3  }
0x36: {  	p1 =	seq.s32 s10, $0x1;
	s10 =	sld [smem:$0x3FBB];
	_ =	sdelay $0x3  }
0x37: {  	[smem:$0x3FBB] =	sst s10  }
0x38: {  	s10 =	sld [smem:$0x3FBC]  }
0x39: {  	_ = 	snop;
	(pc) =	sbr.ind lr, $3  }
0x3a: {  	_ = 	snop  }
0x3b: {  	_ = 	snop  }
0x3c: {  	p2 =	seq.s32 s10, $0x1;
	s10 =	sld [smem:$0x3FBB]  }
0x3d: {  	_ =	shalt  }
0x3e: {  	_ =	shalt  }
0x3f: {  	_ =	shalt  }
0x40: {  	_ =	shalt  }
0x41: {  	_ =	shalt  }
0x42: {  	_ =	shalt  }
0x43: {  	_ =	shalt  }
0x44: {  	_ =	shalt  }
0x45: {  	_ =	shalt  }
0x46: {  	_ =	shalt  }
0x47: {  	_ =	shalt  }
0x48: {  	_ =	shalt  }
0x49: {  	_ =	shalt  }
0x4a: {  	_ =	shalt  }
0x4b: {  	_ =	shalt  }
0x4c: {  	_ =	shalt  }
0x4d: {  	_ =	shalt  }
0x4e: {  	_ =	shalt  }
0x4f: {  	_ =	shalt  }
0x50: {  	_ =	shalt  }
0x51: {  	_ =	shalt  }
0x52: {  	_ =	shalt  }
0x53: {  	_ =	shalt  }
0x54: {  	_ =	shalt  }
0x55: {  	_ =	shalt  }
0x56: {  	_ =	shalt  }
0x57: {  	_ =	shalt  }
0x58: {  	_ =	shalt  }
0x59: {  	_ =	shalt  }
0x5a: {  	_ =	shalt  }
0x5b: {  	_ =	shalt  }
0x5c: {  	_ =	shalt  }
0x5d: {  	_ =	shalt  }
0x5e: {  	_ =	shalt  }
0x5f: {  	_ =	shalt  }
0x60: {  	_ =	shalt  }
0x61: {  	_ =	shalt  }
0x62: {  	_ =	shalt  }
0x63: {  	_ =	shalt  }
0x64: {  	_ =	shalt  }
0x65: {  	_ =	shalt  }
0x66: {  	_ =	shalt  }
0x67: {  	_ =	shalt  }
0x68: {  	_ =	shalt  }
0x69: {  	_ =	shalt  }
0x6a: {  	_ =	shalt  }
0x6b: {  	_ =	shalt  }
0x6c: {  	_ =	shalt  }
0x6d: {  	_ =	shalt  }
0x6e: {  	_ =	shalt  }
0x6f: {  	_ =	shalt  }
0x70: {  	_ =	shalt  }
0x71: {  	_ =	shalt  }
0x72: {  	_ =	shalt  }
0x73: {  	_ =	shalt  }
0x74: {  	_ =	shalt  }
0x75: {  	_ =	shalt  }
0x76: {  	_ =	shalt  }
0x77: {  	_ =	shalt  }
0x78: {  	_ =	shalt  }
0x79: {  	_ =	shalt  }
0x7a: {  	_ =	shalt  }
0x7b: {  	_ =	shalt  }
0x7c: {  	_ =	shalt  }
0x7d: {  	_ =	shalt  }
0x7e: {  	_ =	shalt  }
0x7f: {  	_ =	shalt  }
0x80: {  	_ =	shalt  }
0x81: {  	_ =	shalt  }
0x82: {  	_ =	shalt  }
0x83: {  	_ =	shalt  }
0x84: {  	_ =	shalt  }
0x85: {  	_ =	shalt  }
0x86: {  	_ =	shalt  }
0x87: {  	_ =	shalt  }
.Lfunc_end0:
.L_simem_size_0:
called_computation_lowered:
.L_overlay_start_0:
0x88: {  	s0 =	sld [smem:$0x3FD9]  }
0x89: {  	s1 =	sld [smem:$0x3FFE];
	_ =	sdelay $0x3  }
0x8a: {  	s0 =	sadd.s32 s1, s0  }
0x8b: {  	[smem:$0x3FC7] =	sst s0  }
0x8c: {  	_ = 	snop  }
0x8d: {  	(tm) =	ssettm $0x1  }
0x8e: {  	s15 =	sld [smem:$0x3FFB];
	_ =	sdelay $0x3  }
0x8f: {  	_ =	strace s15  }
0x90: {  	s0 =	sld [smem:$0x3FFC];
	_ =	sdelay $0x3  }
0x91: {  	_ =	strace s0  }
0x92: {  	s0 =	sld [smem:$0x3FFD];
	_ =	sdelay $0x3  }
0x93: {  	_ =	strace s0  }
0x94: {  	_ =	strace $0x8FFFFFFF  }
0x95: {  	s16 =	sld [smem:$0x3FDB];
	_ =	sdelay $0x1  }
0x96: {  	s17 =	simm.s32 $_scs_section_size  }
0x97: {  	s2 =	simm.s32 $_size__tile_overlayer_lowered;
	s3 =	simm.s32 $_tile_overlayer_lowered  }
0x98: {  	s20 =	simm.s32 $0x1BFF;
	s19 =	sshll.u32 s3, $0x1;
	s0 =	sadd.s32 s17, s16  }
0x99: {  	s4 =	simm.s32 $0x0;
	s18 =	sshll.u32 s2, $0x1;
	s2 =	sadd.s32 s19, s0  }
0x9a: {  	[timem:s4], [sflag:s20] =	dma.local [hbm:s2], s18  }
0x9b: {  	_ =	swait.ge [sflag:s20], s18  }
0x9c: {  	s1 =	ssub.s32 $0x0, s18;
	[sflag:s20] =	ssyncset.done $0x0  }
0x9d: {  	[sflag:s20] =	ssyncadd.s32 s1;
	_ =	sdelay $0x1  }
0x9e: {  	s21 =	simm.s32 $0x1B8B  }
0x9f: {  	_ =	swait.ge [sflag:s21], $0x1  }
0xa0: {  	[sflag:s21] =	ssyncset.done $0x0  }
0xa1: {  	s23 =	simm.s32 $0x1B8E;
	s22 =	sld [smem:$0x3FFE];
	[sflag:s21] =	ssyncadd.s32 $0xFFFFFFFF  }
0xa2: {  	s24 =	simm.s32 $execute0_lowered;
	[smem:$0x3FD2] =	sst s23  }
0xa3: {  	s2 =	sshll.u32 s24, $0x1;
	_ =	strace $0x80000046;
	[dreg:$0x1] =	wrdreg $0xFFFFFFFF  }
0xa4: {  	s25 =	simm.s32 $_size_execute0_lowered;
	s0 =	sadd.s32 s0, s2;
	[dreg:$0x0] =	wrdreg $0x0  }
0xa5: {  	s2 =	sshll.u32 s25, $0x1;
	[dreg:$0x2] =	wrdreg s0  }
0xa6: {  	[dreg:$0x3] =	wrdreg s2  }
0xa7: {  	[dreg:$0x4] =	wrdreg $0xC0  }
0xa8: {  	_ =	task [dreg:s4], $0x5FFFF  }
0xa9: {  	[dreg:$0x1] =	wrdreg $0xFFFFFFFF  }
0xaa: {  	[dreg:$0x0] =	wrdreg $0x60  }
0xab: {  	[dreg:$0x2] =	wrdreg s22  }
0xac: {  	[dreg:$0x3] =	wrdreg $0x9  }
0xad: {  	_ =	task.clear_ibuf [dreg:s4], $0x4FFFF;
	_ =	strace $0x90000046  }
0xae: {  	s26 =	simm.s32 $0x9;
	_ =	strace $0x80000048  }
0xaf: {  	_ =	swait.ge [sflag:s26], $0x1  }
0xb0: {  	[sflag:s26] =	ssyncadd.s32 $0xFFFFFFFF  }
0xb1: {  	_ =	strace $0x90000048  }
0xb2: {  	_ =	sfence  }
0xb3: {  	s28 =	sld [smem:$0x0];
	_ =	sdelay $0x1  }
0xb4: {  	s29 =	srdreg.scid  }
0xb5: {  	s30 =	sshll.u32 s29, $0xD;
	s31 =	sshrl.u32 s29, $0x2  }
0xb6: {  	s1 =	sand.u32 $0x1, s29;
	s2 =	sand.u32 $0x4000, s30;
	s0 =	sadd.s32 s31, s28  }
0xb7: {  	s1 =	sor.u32 s2, s1;
	s0 =	sshll.u32 s0, $0x11  }
0xb8: {  	s0 =	sor.u32 s0, s1  }
0xb9: {  	s0 =	sadd.s32 $0x8F2B, s0  }
0xba: {  	[sflag:s0] =	ssyncadd.remote.s32 $0x1  }
0xbb: {  	_ =	sfence.sel $0xFFFF  }
0xbc: {  	[dreg:$0x0] =	wrdreg $0xFFFFFFFF;
	(pc) =	sbr.abs _section_cstart, $3  }
0xbd: {  	[dreg:$0x1] =	wrdreg $0xFFFFFFFF  }
0xbe: {  	_ =	task.clear_ibuf [dreg:s4], $0x2FFFF;
	_ =	strace $0x9FFFFFFF  }
0xbf: {  	(tm) =	ssettm $0x7FFFFFFF  }
tec
execute0_lowered:
.L_overlay_start_1:
0x0: {  	(tag) =	ssettag $0x1  }
0x1: {  	s0 =	stileid.u32;
	v0 =	vlaneseq.u32  }
0x2: {  	s1 =	sshll.u32 s0, $0x5;
	v1 =	vadd.s32 $0xADD083F4, v0  }
0x3: {  	v2 =	vadd.s32 s1, v1  }
0x4: {  	v0 =	vadd.s32 $0xB1A83721, v0;
	v2 =	vshll.u32 v2, $0xD  }
0x5: {  	v3 =	vadd.s32 s1, v0;
	v2 =	vor.u32 $0x15BA, v2  }
0x6: {  	v2 =	vxor.u32 v3, v2  }
0x7: {  	v4 =	vshrl.u32 v2, $0x11;
	v5 =	vshll.u32 v2, $0xF  }
0x8: {  	v2 =	vadd.s32 v3, v2;
	v27 =	vor.u32 v4, v5  }
0x9: {  	v3 =	vxor.u32 v27, v2  }
0xa: {  	v28 =	vshrl.u32 v3, $0x6;
	v29 =	vshll.u32 v3, $0x1A  }
0xb: {  	v2 =	vadd.s32 v2, v3;
	v30 =	vor.u32 v28, v29  }
0xc: {  	v3 =	vxor.u32 v30, v2  }
0xd: {  	v31 =	vshrl.u32 v3, $0x1A;
	v32 =	vshll.u32 v3, $0x6  }
0xe: {  	v2 =	vadd.s32 v2, v3;
	v33 =	vor.u32 v31, v32  }
0xf: {  	v3 =	vxor.u32 v33, v2  }
0x10: {  	v3 =	vadd.s32 $0xB5D62B04, v3  }
0x11: {  	v2 =	vadd.s32 v3, v2;
	v34 =	vshrl.u32 v3, $0xF;
	v3 =	vshll.u32 v3, $0x11  }
0x12: {  	v2 =	vadd.s32 $0xADD083F4, v2;
	v3 =	vor.u32 v34, v3  }
0x13: {  	v3 =	vxor.u32 v3, v2  }
0x14: {  	v35 =	vshrl.u32 v3, $0x3;
	v36 =	vshll.u32 v3, $0x1D  }
0x15: {  	v2 =	vadd.s32 v2, v3;
	v37 =	vor.u32 v35, v36  }
0x16: {  	v3 =	vxor.u32 v37, v2  }
0x17: {  	v38 =	vshrl.u32 v3, $0x10;
	v39 =	vshll.u32 v3, $0x10  }
0x18: {  	v2 =	vadd.s32 v2, v3;
	v40 =	vor.u32 v38, v39  }
0x19: {  	v3 =	vxor.u32 v40, v2  }
0x1a: {  	v41 =	vshrl.u32 v3, $0x8;
	v42 =	vshll.u32 v3, $0x18  }
0x1b: {  	v2 =	vadd.s32 v2, v3;
	v43 =	vor.u32 v41, v42  }
0x1c: {  	v3 =	vxor.u32 v43, v2  }
0x1d: {  	v3 =	vadd.s32 $0x3D7B32F, v3  }
0x1e: {  	v2 =	vadd.s32 v3, v2;
	v44 =	vshrl.u32 v3, $0x13;
	v3 =	vshll.u32 v3, $0xD  }
0x1f: {  	v59 =	vimm.f32 $1.600000000e+01;
	v2 =	vadd.s32 $0xB5D62B03, v2;
	v3 =	vor.u32 v44, v3  }
0x20: {  	vm0 =	vcmask $0x300;
	v63 =	vimm.f32 $1.000000000e+03;
	v3 =	vxor.u32 v3, v2  }
0x21: {  	vm13 =	vcmask $0x704;
	v45 =	vshrl.u32 v3, $0x11;
	v46 =	vshll.u32 v3, $0xF  }
0x22: {  	vm14 =	vcmask $0xB08;
	v2 =	vadd.s32 v2, v3;
	v47 =	vor.u32 v45, v46  }
0x23: {  	vm15 =	vcmask $0xF0C;
	vm4 =	vcmask $0x1310;
	v3 =	vxor.u32 v47, v2  }
0x24: {  	vm5 =	vcmask $0x1714;
	s2 =	sor.u32 $0x10, s1;
	v48 =	vshrl.u32 v3, $0x6;
	v49 =	vshll.u32 v3, $0x1A  }
0x25: {  	v1 =	vadd.s32 s2, v1;
	v2 =	vadd.s32 v2, v3;
	v50 =	vor.u32 v48, v49  }
0x26: {  	v0 =	vadd.s32 s2, v0;
	v1 =	vshll.u32 v1, $0xD;
	v3 =	vxor.u32 v50, v2  }
0x27: {  	v1 =	vor.u32 $0x15BA, v1;
	v51 =	vshrl.u32 v3, $0x1A;
	v52 =	vshll.u32 v3, $0x6  }
0x28: {  	v1 =	vxor.u32 v0, v1;
	v2 =	vadd.s32 v2, v3;
	v53 =	vor.u32 v51, v52  }
0x29: {  	v56 =	vshrl.u32 v1, $0x11;
	v6 =	vshll.u32 v1, $0xF;
	v3 =	vxor.u32 v53, v2  }
0x2a: {  	v0 =	vadd.s32 v0, v1;
	v5 =	vor.u32 v56, v6;
	v3 =	vadd.s32 $0xADD083F7, v3  }
0x2b: {  	v2 =	vadd.s32 v3, v2;
	v54 =	vshrl.u32 v3, $0xF;
	v3 =	vshll.u32 v3, $0x11  }
0x2c: {  	v58 =	vxor.u32 v5, v0;
	v2 =	vadd.s32 $0x3D7B32D, v2;
	v3 =	vor.u32 v54, v3  }
0x2d: {  	v5 =	vshrl.u32 v58, $0x6;
	v60 =	vshll.u32 v58, $0x1A;
	v3 =	vxor.u32 v3, v2  }
0x2e: {  	v0 =	vadd.s32 v0, v58;
	v61 =	vor.u32 v5, v60;
	v55 =	vshrl.u32 v3, $0x3  }
0x2f: {  	v57 =	vshll.u32 v3, $0x1D;
	v2 =	vadd.s32 v2, v3;
	v3 =	vxor.u32 v61, v0  }
0x30: {  	v0 =	vadd.s32 v0, v3;
	v62 =	vshrl.u32 v3, $0x1A;
	v3 =	vshll.u32 v3, $0x6  }
0x31: {  	vm6 =	vcmask $0x1B18;
	vm7 =	vcmask $0x1F1C;
	v3 =	vor.u32 v62, v3  }
0x32: {  	vm8 =	vcmask $0x2320;
	vm9 =	vcmask $0x2724;
	v3 =	vxor.u32 v3, v0  }
0x33: {  	vm10 =	vcmask $0x2B28;
	v4 =	vsel vm0, $0x3F800000, v59;
	v3 =	vadd.s32 $0xB5D62B04, v3  }
0x34: {  	v0 =	vadd.s32 v3, v0;
	v9 =	vshrl.u32 v3, $0xF;
	v3 =	vshll.u32 v3, $0x11  }
0x35: {  	v4 =	vsel vm13, $0x40000000, v4;
	v0 =	vadd.s32 $0xADD083F4, v0;
	v3 =	vor.u32 v9, v3  }
0x36: {  	s4 =	rddreg [dreg:$0x0];
	s3 =	simm.s32 $0x0;
	vm11 =	vcmask $0x2F2C;
	v4 =	vsel vm14, $0x40400000, v4;
	v3 =	vxor.u32 v3, v0  }
0x37: {  	[smem:$0x7FF] =	sst s3;
	v4 =	vsel vm15, $0x40800000, v4;
	v10 =	vshrl.u32 v3, $0x3;
	v11 =	vshll.u32 v3, $0x1D  }
0x38: {  	s2 =	rddreg [dreg:$0x1];
	_ =	strace $0x80000047;
	v4 =	vsel vm4, $0x40A00000, v4;
	v0 =	vadd.s32 v0, v3;
	v12 =	vor.u32 v10, v11  }
0x39: {  	(erf) = vrcp.f32 v63;
	v4 =	vsel vm5, $0x40C00000, v4;
	v3 =	vxor.u32 v12, v0  }
0x3a: {  	v4 =	vsel vm6, $0x40E00000, v4;
	v13 =	vshrl.u32 v3, $0x10;
	v14 =	vshll.u32 v3, $0x10  }
0x3b: {  	v4 =	vsel vm7, $0x41000000, v4;
	v0 =	vadd.s32 v0, v3;
	v15 =	vor.u32 v13, v14  }
0x3c: {  	vm12 =	vcmask $0x3330;
	v4 =	vsel vm8, $0x41100000, v4;
	v3 =	vxor.u32 v15, v0  }
0x3d: {  	v4 =	vsel vm9, $0x41200000, v4;
	v16 =	vshrl.u32 v3, $0x8;
	v17 =	vshll.u32 v3, $0x18  }
0x3e: {  	v4 =	vsel vm10, $0x41300000, v4;
	v0 =	vadd.s32 v0, v3;
	v18 =	vor.u32 v16, v17  }
0x3f: {  	vm13 =	vcmask $0x3734;
	v4 =	vsel vm11, $0x41400000, v4;
	v3 =	vxor.u32 v18, v0  }
0x40: {  	vm14 =	vcmask $0x3B38;
	v4 =	vsel vm12, $0x41500000, v4;
	v3 =	vadd.s32 $0x3D7B32F, v3  }
0x41: {  	v0 =	vadd.s32 v3, v0;
	v19 =	vshrl.u32 v3, $0x13;
	v3 =	vshll.u32 v3, $0xD  }
0x42: {  	v4 =	vsel vm13, $0x41600000, v4;
	v0 =	vadd.s32 $0xB5D62B03, v0;
	v3 =	vor.u32 v19, v3  }
0x43: {  	v26 =	vpop (erf);
	v4 =	vsel vm14, $0x41700000, v4;
	v3 =	vxor.u32 v3, v0  }
0x44: {  	v4 =	vmul.f32 v4, v26;
	v20 =	vshrl.u32 v3, $0x11;
	v21 =	vshll.u32 v3, $0xF  }
0x45: {  	v0 =	vadd.s32 v0, v3;
	v22 =	vor.u32 v20, v21  }
0x46: {  	v4 =	vmul.f32 $1.442695020e+00, v4;
	v3 =	vxor.u32 v22, v0  }
0x47: {  	v1 =	vor.u32 v55, v57;
	v23 =	vshrl.u32 v3, $0x6;
	v24 =	vshll.u32 v3, $0x1A  }
0x48: {  	v1 =	vxor.u32 v1, v2;
	v0 =	vadd.s32 v0, v3;
	v5 =	vor.u32 v23, v24  }
0x49: {  	(erf) = vpow2.f32 v4;
	v2 =	vadd.s32 v2, v1;
	v5 =	vxor.u32 v5, v0  }
0x4a: {  	v25 =	vshrl.u32 v1, $0x10;
	v27 =	vshrl.u32 v5, $0x1A;
	v28 =	vshll.u32 v5, $0x6  }
0x4b: {  	v1 =	vshll.u32 v1, $0x10;
	v0 =	vadd.s32 v0, v5;
	v3 =	vor.u32 v27, v28  }
0x4c: {  	v1 =	vor.u32 v25, v1;
	v3 =	vxor.u32 v3, v0  }
0x4d: {  	v1 =	vxor.u32 v1, v2;
	v3 =	vadd.s32 $0xADD083F7, v3  }
0x4e: {  	v0 =	vadd.s32 v3, v0;
	v30 =	vshrl.u32 v3, $0xF;
	v3 =	vshll.u32 v3, $0x11  }
0x4f: {  	v29 =	vshrl.u32 v1, $0x8;
	v0 =	vadd.s32 $0x3D7B32D, v0;
	v3 =	vor.u32 v30, v3  }
0x50: {  	v31 =	vshll.u32 v1, $0x18;
	v1 =	vadd.s32 v2, v1;
	v3 =	vxor.u32 v3, v0  }
0x51: {  	v32 =	vor.u32 v29, v31;
	v33 =	vshrl.u32 v3, $0x3;
	v34 =	vshll.u32 v3, $0x1D  }
0x52: {  	v40 =	vpop (erf);
	v2 =	vxor.u32 v32, v1;
	v0 =	vadd.s32 v0, v3;
	v35 =	vor.u32 v33, v34  }
0x53: {  	v4 =	vadd.f32 $1.000000000e+03, v40;
	v2 =	vadd.s32 $0xB5D62B07, v2;
	v3 =	vxor.u32 v35, v0  }
0x54: {  	v1 =	vadd.s32 v2, v1;
	v37 =	vshrl.u32 v3, $0x10;
	v38 =	vshll.u32 v3, $0x10  }
0x55: {  	v36 =	vshrl.u32 v2, $0x13;
	v0 =	vadd.s32 v0, v3;
	v39 =	vor.u32 v37, v38  }
0x56: {  	v2 =	vshll.u32 v2, $0xD;
	v1 =	vadd.s32 $0xADD083F4, v1;
	v3 =	vxor.u32 v39, v0  }
0x57: {  	v2 =	vor.u32 v36, v2;
	v41 =	vshrl.u32 v3, $0x8;
	v42 =	vshll.u32 v3, $0x18  }
0x58: {  	v2 =	vxor.u32 v2, v1;
	v0 =	vadd.s32 v0, v3;
	v43 =	vor.u32 v41, v42  }
0x59: {  	(erf) = vrcp.f32 v4;
	v1 =	vadd.s32 v1, v2;
	v3 =	vxor.u32 v43, v0  }
0x5a: {  	v44 =	vshrl.u32 v2, $0x11;
	v2 =	vshll.u32 v2, $0xF;
	v3 =	vadd.s32 $0xB5D62B07, v3  }
0x5b: {  	v0 =	vadd.s32 v3, v0;
	v45 =	vshrl.u32 v3, $0x13;
	v3 =	vshll.u32 v3, $0xD  }
0x5c: {  	v2 =	vor.u32 v44, v2;
	v0 =	vadd.s32 $0xADD083F4, v0;
	v3 =	vor.u32 v45, v3  }
0x5d: {  	v2 =	vxor.u32 v2, v1;
	v3 =	vxor.u32 v3, v0  }
0x5e: {  	v46 =	vshrl.u32 v2, $0x6;
	v47 =	vshrl.u32 v3, $0x11;
	v48 =	vshll.u32 v3, $0xF  }
0x5f: {  	v49 =	vshll.u32 v2, $0x1A;
	v0 =	vadd.s32 v0, v3;
	v5 =	vor.u32 v47, v48  }
0x60: {  	v1 =	vadd.s32 v1, v2;
	v50 =	vor.u32 v46, v49;
	v51 =	vxor.u32 v5, v0  }
0x61: {  	v2 =	vxor.u32 v50, v1;
	v52 =	vshrl.u32 v51, $0x6;
	v5 =	vshll.u32 v51, $0x1A  }
0x62: {  	s1 =	sadd.s32 s1, s4;
	v1 =	vadd.s32 v1, v2;
	v0 =	vadd.s32 v0, v51;
	v53 =	vor.u32 v52, v5  }
0x63: {  	s31 =	simm.s32 $0x1;
	s4 =	sadd.s32 $0x400, s1;
	v54 =	vshrl.u32 v2, $0x1A;
	v2 =	vshll.u32 v2, $0x6;
	v3 =	vxor.u32 v53, v0  }
0x64: {  	[tilespmem:s3], [sflag:$0x1] =	stream.linear.gather [hbm4b:s4+s3], $0x100, $0x38;
	v55 =	vpop (erf);
	v2 =	vor.u32 v54, v2;
	v56 =	vshrl.u32 v3, $0x1A;
	v57 =	vshll.u32 v3, $0x6;
	[tilespmem:$0x100] =	vst v63  }
0x65: {  	_ =	swait.ge [sflag:s31], $0x100;
	v2 =	vxor.u32 v2, v1;
	v0 =	vadd.s32 v0, v3;
	v58 =	vor.u32 v56, v57  }
0x66: {  	[sflag:s31] =	ssyncset.done $0x0;
	v1 =	vadd.s32 $0xB5D62B03, v1;
	v2 =	vadd.s32 $0x3D7B332, v2;
	v3 =	vxor.u32 v58, v0  }
0x67: {  	[sflag:s31] =	ssyncadd.s32 $0xFFFFFF00;
	v1 =	vxor.u32 v1, v2;
	v0 =	vadd.s32 $0xB5D62B03, v0;
	v59 =	vadd.s32 $0x3D7B332, v3  }
0x68: {  	v60 =	vld [tilespmem:$0x0];
	v1 =	vshrl.u32 v1, $0x9;
	v0 =	vxor.u32 v0, v59  }
0x69: {  	v61 =	vld [tilespmem:$0x80];
	v1 =	vor.u32 $0x3F800000, v1;
	v0 =	vshrl.u32 v0, $0x9  }
0x6a: {  	v4 =	vmul.f32 $1.000000000e+03, v55;
	v1 =	vadd.f32 $-1.000000000e+00, v1;
	v0 =	vor.u32 $0x3F800000, v0  }
0x6b: {  	v0 =	vadd.f32 $-1.000000000e+00, v0  }
0x6c: {  	vm15 =	vlt.f32 v1, v4  }
0x6d: {  	v62 =	vnsel vm15, $0xBF800000, v60;
	vm1 =	vlt.f32 v0, v4  }
0x6e: {  	[tilespmem:$0x0] =	vst v62;
	v63 =	vnsel vm1, $0xBF800000, v61  }
0x6f: {  	s1 =	sadd.s32 $0x600, s1;
	[tilespmem:$0x80] =	vst v63  }
0x70: {  	[hbm4b:s1+s3] =	stream.linear.scatter [tilespmem:s3], [sflag:$0x1], $0x100, $0x38;
	[tilespmem:$0x100] =	vst v63  }
0x71: {  	_ =	swait.ge [sflag:s31], $0x100  }
0x72: {  	[sflag:s31] =	ssyncset.done $0x0  }
0x73: {  	[sflag:s31] =	ssyncadd.s32 $0xFFFFFF00  }
0x74: {  	_ =	sfence.sel $0x180000  }
0x75: {  	[bflag:$0x0] =	sbarrier.arrive $0xFFFF  }
0x76: {  	p0 =	sne.s32 s0, $0x0;
	_ =	strace $0x90000047  }
0x77: {  	s0 =	sadd.s32 @!p0 $0x100000, s2;
	[bflag:$0x2] =	sbarrier.arrive $0xFFFF  }
0x78: {  	[sflag:s0] =	ssyncadd.tile.s32 @!p0 $0x1;
	_ =	shalt  }
.Lfunc_end2:
_tile_overlayer_lowered:
.L_overlay_start_2:
0x79: {  	(tag) =	ssettag $0x2  }
0x7a: {  	s0 =	rddreg [dreg:$0x0];
	s2 =	stileid.u32  }
0x7b: {  	s1 =	rddreg [dreg:$0x1];
	p0 =	sne.s32 s2, $0x0  }
0x7c: {  	s3 =	rddreg [dreg:$0x2];
	[bflag:$0x3] =	sbarrier.arrive $0xFFFF;
	s2 =	simm.s32 @!p0 $0x1C01  }
0x7d: {  	[timem:s3], [sflag:s2] =	dma.local @!p0 [hbm:s0], s1  }
0x7e: {  	s0 =	simm.s32 @!p0 $0x1  }
0x7f: {  	_ =	swait.ge @!p0 [sflag:s0], s1  }
0x80: {  	s1 =	ssub.s32 @!p0 $0x0, s1;
	[sflag:s0] =	ssyncset.done @!p0 $0x0  }
0x81: {  	[sflag:s0] =	ssyncadd.s32 @!p0 s1  }
0x82: {  	[bflag:$0x3] =	sbarrier.arrive $0xFFFF  }
0x83: {  	_ =	shalt  }

</sc_bundles>
